<compile_context>
chip_gen: v7x
topology: tpu7x:2x2x1
jax: 0.10.2.dev20260603
libtpu: 0.0.44.dev20260713+nightly
codegen_flags: <defaults>
</compile_context>

<pallas_src>
import functools

import jax
import jax.numpy as jnp
from jax import lax
from jax.experimental import pallas as pl
from jax.experimental.pallas import tpu as pltpu
from jax.experimental.pallas import tpu_sc as plsc

_B, _T, _DIN, _D, _K = 16, 512, 768, 64, 8192
_N = _B * _T
_TB = 512
_KB = 2048
_CHUNK = 2048
_G1 = _N // _TB


def _proj_argmin_body(inp_ref, w_ref, b_ref, emb_ref, idx_ref, md_ref):
    x = lax.dot_general(inp_ref[...].astype(jnp.bfloat16),
                        w_ref[...].astype(jnp.bfloat16),
                        (((1,), (1,)), ((), ())),
                        preferred_element_type=jnp.float32)
    x = x + b_ref[...]
    xsq = jnp.sum(x * x, axis=1, keepdims=True)
    x2b = (2.0 * x).astype(jnp.bfloat16)
    iota = lax.broadcasted_iota(jnp.int32, (_TB, _KB), 1)
    acc_v = None
    acc_i = None
    md = None
    for j in range(_K // _KB):
        e = emb_ref[j * _KB:(j + 1) * _KB, :]
        esq = jnp.sum(e * e, axis=1)
        m = lax.dot_general(x2b, e.astype(jnp.bfloat16),
                            (((1,), (1,)), ((), ())),
                            preferred_element_type=jnp.float32)
        d = (xsq + esq[None, :]) - m
        bmin = jnp.min(d, axis=1)
        bidx = jnp.min(jnp.where(d == bmin[:, None], iota, _K), axis=1) + (j * _KB)
        if acc_v is None:
            acc_v, acc_i, md = bmin, bidx, bmin
        else:
            upd = bmin < acc_v
            acc_v = jnp.where(upd, bmin, acc_v)
            acc_i = jnp.where(upd, bidx, acc_i)
            md = jnp.where(upd, bmin, md)
        if (j + 1) % (_CHUNK // _KB) == 0:
            acc_v = acc_v.astype(jnp.bfloat16).astype(jnp.float32)
    idx_ref[0, 0, :] = acc_i
    md_ref[0, 0, :] = md


def _run_proj_argmin(inp2d, w, b2d, emb):
    return pl.pallas_call(
        _proj_argmin_body,
        grid=(_G1,),
        in_specs=[
            pl.BlockSpec((_TB, _DIN), lambda i: (i, 0)),
            pl.BlockSpec((_D, _DIN), lambda i: (0, 0)),
            pl.BlockSpec((1, _D), lambda i: (0, 0)),
            pl.BlockSpec((_K, _D), lambda i: (0, 0)),
        ],
        out_specs=[
            pl.BlockSpec((1, 1, _TB), lambda i: (i, 0, 0)),
            pl.BlockSpec((1, 1, _TB), lambda i: (i, 0, 0)),
        ],
        out_shape=[
            jax.ShapeDtypeStruct((_G1, 1, _TB), jnp.int32),
            jax.ShapeDtypeStruct((_G1, 1, _TB), jnp.float32),
        ],
    )(inp2d, w, b2d, emb)



try:
    _INFO = plsc.get_sparse_core_info()
    _NC, _NS, _L = _INFO.num_cores, _INFO.num_subcores, _INFO.num_lanes
except ValueError:
    _NC, _NS, _L = 2, 16, 16
_NW = _NC * _NS
_BPW = _N // _NW
_HC = 128
_NCH = _BPW // _HC
_DP = 128
_CW = 128
_ZR = _K // _NS


def _sc_gather_hist(emb_hbm, idx_hbm, zeros_hbm, ones_hbm, q_hbm, cnt_hbm,
                    idx_v, rows_v, ones_v, shared, sem):
    c = lax.axis_index("c")
    s = lax.axis_index("s")
    wid = s * _NC + c
    base = wid * _BPW
    cps = []
    for j in range(_NCH):
        pltpu.sync_copy(idx_hbm.at[pl.ds(base + j * _HC, _HC)], idx_v.at[j])
        cps.append(pltpu.async_copy(emb_hbm.at[idx_v.at[j]], rows_v[j], sem))
    pltpu.sync_copy(ones_hbm, ones_v)
    pltpu.sync_copy(zeros_hbm, shared.at[pl.ds(s * _ZR, _ZR)])
    plsc.subcore_barrier()
    for j in range(_NCH):
        pltpu.sync_copy(ones_v, shared.at[idx_v.at[j]], add=True)
    for j in range(_NCH):
        cps[j].wait()
        pltpu.sync_copy(rows_v[j], q_hbm.at[pl.ds(base + j * _HC, _HC)])
    plsc.subcore_barrier()
    pltpu.sync_copy(shared.at[pl.ds(s * _ZR, _ZR)],
                    cnt_hbm.at[c, pl.ds(s * _ZR, _ZR)])


@functools.cache
def _get_sc_call():
    return functools.partial(
        pl.kernel,
        out_type=[
            jax.ShapeDtypeStruct((_N, _DP), jnp.float32),
            jax.ShapeDtypeStruct((_NC, _K, _CW), jnp.float32),
        ],
        mesh=plsc.VectorSubcoreMesh(core_axis_name="c", subcore_axis_name="s",
                                    num_cores=_NC, num_subcores=_NS),
        scratch_types=[
            pltpu.VMEM((_NCH, _HC), jnp.int32),
            [pltpu.VMEM((_HC, _DP), jnp.float32) for _ in range(_NCH)],
            pltpu.VMEM((_HC, _CW), jnp.float32),
            pltpu.VMEM_SHARED((_K, _CW), jnp.float32),
            pltpu.SemaphoreType.DMA,
        ],
    )(_sc_gather_hist)



def _scalar_body(cnt_ref, md_ref, vq_ref, ppl_ref):
    csum = jnp.sum(cnt_ref[...], axis=(0, 2))
    p = csum * (1.0 / (_N * _CW))
    ent = -jnp.sum(p * jnp.log(p + 1e-10))
    ppl_ref[0, 0] = jnp.exp(ent)
    sl = jnp.sum(md_ref[...])
    cl = sl * (1.0 / (_N * _D))
    vq_ref[0, 0] = cl + 0.25 * cl


def _run_scalars(cnt4, md2):
    return pl.pallas_call(
        _scalar_body,
        out_specs=[
            pl.BlockSpec(memory_space=pltpu.SMEM),
            pl.BlockSpec(memory_space=pltpu.SMEM),
        ],
        out_shape=[
            jax.ShapeDtypeStruct((1, 1), jnp.float32),
            jax.ShapeDtypeStruct((1, 1), jnp.float32),
        ],
    )(cnt4, md2)


def kernel(inputs, W_proj, b_proj, emb):
    inp2d = inputs.reshape(_N, _DIN)
    b2d = b_proj.reshape(1, _D)
    idx3, md3 = _run_proj_argmin(inp2d, W_proj, b2d, emb)
    idx1d = idx3.reshape(_N)
    embp = jnp.concatenate(
        [emb, jnp.zeros((_K, _DP - _D), jnp.float32)], axis=1)
    zeros_hbm = jnp.zeros((_ZR, _CW), jnp.float32)
    ones_hbm = jnp.ones((_HC, _CW), jnp.float32)
    qp, cnt = _get_sc_call()(embp, idx1d, zeros_hbm, ones_hbm)
    q2d = qp[:, :_D]

    md2 = md3.reshape(_N // 128, 128)
    vq, ppl = _run_scalars(cnt, md2)
    quantized_st = q2d.reshape(_B, _T, _D)
    tokens = idx1d.reshape(_B, _T)
    return quantized_st, tokens, vq[0, 0], ppl[0, 0]

# --- scband reference (transcript-rebuilt; emitter-appended) ---
"""Pipeline reference for scband-vector-quantizer-76416058131071 (READ-ONLY COPY).

The authoritative reference and input builder live on the scoring server;
editing this copy changes nothing except your own understanding.
"""

import jax, jax.numpy as jnp
import numpy as np

B, T, DIN, D, K = 16, 512, 768, 64, 8192

def setup_inputs(seed: int = 0):
    key = jax.random.key(seed)
    k1, k2, k3 = jax.random.split(key, 3)
    inputs = jax.random.normal(k1, (B, T, DIN), dtype=jnp.float32)
    W_proj = jax.random.normal(k2, (D, DIN), dtype=jnp.float32) * (1.0 / np.sqrt(DIN))
    b_proj = jnp.zeros((D,), dtype=jnp.float32)
    emb = jax.random.uniform(k3, (K, D), dtype=jnp.float32, minval=-1.0 / K, maxval=1.0 / K)
    return {"inputs": inputs, "W_proj": W_proj, "b_proj": b_proj, "emb": emb}

def reference(inputs, W_proj, b_proj, emb):
    # input projection (nn.Linear with in_dim != embed_dim)
    x = jnp.einsum('bti,di->btd', inputs, W_proj) + b_proj
    Bs, Ts, Ds = x.shape
    flat = x.reshape(-1, Ds)
    # squared L2 distances to codebook entries
    distances = (jnp.sum(flat ** 2, axis=1, keepdims=True)
                 + jnp.sum(emb ** 2, axis=1)
                 - 2.0 * flat @ emb.T)
    encoding_indices = jnp.argmin(distances, axis=1)
    encoding_one_hot = jax.nn.one_hot(encoding_indices, K, dtype=flat.dtype)
    quantized_flat = encoding_one_hot @ emb
    quantized = quantized_flat.reshape(Bs, Ts, Ds)
    commitment_loss = jnp.mean((jax.lax.stop_gradient(quantized) - x) ** 2)
    codebook_loss = jnp.mean((quantized - jax.lax.stop_gradient(x)) ** 2)
    vq_loss = codebook_loss + 0.25 * commitment_loss
    # straight-through estimator
    quantized_st = x + jax.lax.stop_gradient(quantized - x)
    avg_probs = jnp.mean(encoding_one_hot, axis=0)
    perplexity = jnp.exp(-jnp.sum(avg_probs * jnp.log(avg_probs + 1e-10)))
    tokens = encoding_indices.reshape(Bs, Ts)
    return quantized_st, tokens, vq_loss, perplexity

if __name__ == "__main__":
    import jax
    _d = setup_inputs()
    print(jax.jit(kernel)(*tuple(_d.values())))

</pallas_src>

<mosaic_0001>
#map = affine_map<(d0, d1) -> (0, 0)>
#map1 = affine_map<(d0, d1) -> (0)>
#map2 = affine_map<(d0, d1) -> (0, 0, 0)>
module attributes {stable_mosaic.version = 14 : i64} {
  func.func @_sc_gather_hist(%arg0: i32, %arg1: i32, %arg2: memref<8192x128xf32, #tpu.memory_space<hbm>>, %arg3: memref<8192xi32, #tpu.memory_space<hbm>>, %arg4: memref<512x128xf32, #tpu.memory_space<hbm>>, %arg5: memref<128x128xf32, #tpu.memory_space<hbm>>, %arg6: memref<8192x128xf32, #tpu.memory_space<hbm>>, %arg7: memref<2x8192x128xf32, #tpu.memory_space<hbm>>, %arg8: memref<2x128xi32, #tpu.memory_space<vmem>>, %arg9: memref<128x128xf32, #tpu.memory_space<vmem>>, %arg10: memref<128x128xf32, #tpu.memory_space<vmem>>, %arg11: memref<128x128xf32, #tpu.memory_space<vmem>>, %arg12: memref<8192x128xf32, #tpu.memory_space<vmem_shared>>, %arg13: memref<!tpu.dma_semaphore, #tpu.memory_space<semaphore_mem>>) attributes {dimension_semantics = [#tpu.dimension_semantics<core_parallel>, #tpu.dimension_semantics<subcore_parallel>], iteration_bounds = array<i64: 2, 16>, scalar_prefetch = 0 : i64, scratch_operands = 6 : i64, tpu.core_type = #tpu.core_type<sc_vector_subcore>, window_params = [{transform_indices = #map}, {transform_indices = #map1}, {transform_indices = #map}, {transform_indices = #map}, {transform_indices = #map}, {transform_indices = #map2}]} {
    %mul3A = arith.constant 2 : i32
    %mul3A_0 = arith.muli %arg1, %mul3A : i32
    %add3A = arith.addi %mul3A_0, %arg0 : i32
    %mul3A_1 = arith.constant 256 : i32
    %mul3A_2 = arith.muli %add3A, %mul3A_1 : i32
    %add3A_3 = arith.constant 0 : i32
    %add3A_4 = arith.addi %mul3A_2, %add3A_3 : i32
    %run_scoped3A = arith.constant 0 : i32
    "tpu.region"() ({
      %run_scoped3A_47 = tpu.sem_alloc : memref<!tpu.dma_semaphore, #tpu.memory_space<semaphore_mem>>
      %dma_start3A_48 = arith.constant 0 : i32
      %dma_start3A_49 = tpu.memref_slice %arg8[%run_scoped3A, %dma_start3A_48] : memref<2x128xi32, #tpu.memory_space<vmem>> -> memref<1x128xi32, #tpu.memory_space<vmem>>
      %dma_start3A_50 = tpu.memref_squeeze %dma_start3A_49 : memref<1x128xi32, #tpu.memory_space<vmem>> -> memref<128xi32, #tpu.memory_space<vmem>>
      %dma_start3A_51 = tpu.memref_slice %arg3[%add3A_4] : memref<8192xi32, #tpu.memory_space<hbm>> -> memref<128xi32, #tpu.memory_space<hbm>>
      %dma_start3A_52 = arith.constant 0 : i32
      %dma_start3A_53 = tpu.memref_slice %arg8[%run_scoped3A, %dma_start3A_52] : memref<2x128xi32, #tpu.memory_space<vmem>> -> memref<1x128xi32, #tpu.memory_space<vmem>>
      %dma_start3A_54 = tpu.memref_squeeze %dma_start3A_53 : memref<1x128xi32, #tpu.memory_space<vmem>> -> memref<128xi32, #tpu.memory_space<vmem>>
      %dma_start3A_55 = tpu.memref_slice %arg3[%add3A_4] : memref<8192xi32, #tpu.memory_space<hbm>> -> memref<128xi32, #tpu.memory_space<hbm>>
      tpu.enqueue_dma source(%dma_start3A_55 : memref<128xi32, #tpu.memory_space<hbm>>) target(%dma_start3A_54 : memref<128xi32, #tpu.memory_space<vmem>>) target_semaphore(%run_scoped3A_47 : memref<!tpu.dma_semaphore, #tpu.memory_space<semaphore_mem>>)
      %dma_wait3A_56 = arith.constant 0 : i32
      %dma_wait3A_57 = tpu.memref_slice %arg8[%run_scoped3A, %dma_wait3A_56] : memref<2x128xi32, #tpu.memory_space<vmem>> -> memref<1x128xi32, #tpu.memory_space<vmem>>
      %dma_wait3A_58 = tpu.memref_squeeze %dma_wait3A_57 : memref<1x128xi32, #tpu.memory_space<vmem>> -> memref<128xi32, #tpu.memory_space<vmem>>
      %dma_wait3A_59 = tpu.memref_slice %arg3[%add3A_4] : memref<8192xi32, #tpu.memory_space<hbm>> -> memref<128xi32, #tpu.memory_space<hbm>>
      %dma_wait3A_60 = arith.constant 0 : i32
      %dma_wait3A_61 = tpu.memref_slice %arg8[%run_scoped3A, %dma_wait3A_60] : memref<2x128xi32, #tpu.memory_space<vmem>> -> memref<1x128xi32, #tpu.memory_space<vmem>>
      %dma_wait3A_62 = tpu.memref_squeeze %dma_wait3A_61 : memref<1x128xi32, #tpu.memory_space<vmem>> -> memref<128xi32, #tpu.memory_space<vmem>>
      %dma_wait3A_63 = tpu.memref_slice %arg3[%add3A_4] : memref<8192xi32, #tpu.memory_space<hbm>> -> memref<128xi32, #tpu.memory_space<hbm>>
      tpu.wait_dma2 semaphore(%run_scoped3A_47 : memref<!tpu.dma_semaphore, #tpu.memory_space<semaphore_mem>>) src(%dma_wait3A_63 : memref<128xi32, #tpu.memory_space<hbm>>) dst(%dma_wait3A_62 : memref<128xi32, #tpu.memory_space<vmem>>)
      tpu.yield
    }) : () -> ()
    %dma_start3A = arith.constant 0 : i32
    %dma_start3A_5 = arith.constant 0 : i32
    %dma_start3A_6 = tpu.memref_slice %arg8[%dma_start3A, %dma_start3A_5] : memref<2x128xi32, #tpu.memory_space<vmem>> -> memref<1x128xi32, #tpu.memory_space<vmem>>
    %dma_start3A_7 = tpu.memref_squeeze %dma_start3A_6 : memref<1x128xi32, #tpu.memory_space<vmem>> -> memref<128xi32, #tpu.memory_space<vmem>>
    %dma_start3A_8 = arith.constant 0 : i32
    %dma_start3A_9 = arith.constant 0 : i32
    %dma_start3A_10 = tpu.memref_slice %arg2[%dma_start3A_8, %dma_start3A_9] : memref<8192x128xf32, #tpu.memory_space<hbm>> -> memref<8192x128xf32, #tpu.memory_space<hbm>>
    tpu.enqueue_indirect_dma source(%dma_start3A_10 : memref<8192x128xf32, #tpu.memory_space<hbm>>) target(%arg9 : memref<128x128xf32, #tpu.memory_space<vmem>>) offsets(%dma_start3A_7 : memref<128xi32, #tpu.memory_space<vmem>>) semaphore(%arg13 : memref<!tpu.dma_semaphore, #tpu.memory_space<semaphore_mem>>)
    %add3A_11 = arith.constant 128 : i32
    %add3A_12 = arith.addi %mul3A_2, %add3A_11 : i32
    %run_scoped3A_13 = arith.constant 1 : i32
    "tpu.region"() ({
      %run_scoped3A_47 = tpu.sem_alloc : memref<!tpu.dma_semaphore, #tpu.memory_space<semaphore_mem>>
      %dma_start3A_48 = arith.constant 0 : i32
      %dma_start3A_49 = tpu.memref_slice %arg8[%run_scoped3A_13, %dma_start3A_48] : memref<2x128xi32, #tpu.memory_space<vmem>> -> memref<1x128xi32, #tpu.memory_space<vmem>>
      %dma_start3A_50 = tpu.memref_squeeze %dma_start3A_49 : memref<1x128xi32, #tpu.memory_space<vmem>> -> memref<128xi32, #tpu.memory_space<vmem>>
      %dma_start3A_51 = tpu.memref_slice %arg3[%add3A_12] : memref<8192xi32, #tpu.memory_space<hbm>> -> memref<128xi32, #tpu.memory_space<hbm>>
      %dma_start3A_52 = arith.constant 0 : i32
      %dma_start3A_53 = tpu.memref_slice %arg8[%run_scoped3A_13, %dma_start3A_52] : memref<2x128xi32, #tpu.memory_space<vmem>> -> memref<1x128xi32, #tpu.memory_space<vmem>>
      %dma_start3A_54 = tpu.memref_squeeze %dma_start3A_53 : memref<1x128xi32, #tpu.memory_space<vmem>> -> memref<128xi32, #tpu.memory_space<vmem>>
      %dma_start3A_55 = tpu.memref_slice %arg3[%add3A_12] : memref<8192xi32, #tpu.memory_space<hbm>> -> memref<128xi32, #tpu.memory_space<hbm>>
      tpu.enqueue_dma source(%dma_start3A_55 : memref<128xi32, #tpu.memory_space<hbm>>) target(%dma_start3A_54 : memref<128xi32, #tpu.memory_space<vmem>>) target_semaphore(%run_scoped3A_47 : memref<!tpu.dma_semaphore, #tpu.memory_space<semaphore_mem>>)
      %dma_wait3A_56 = arith.constant 0 : i32
      %dma_wait3A_57 = tpu.memref_slice %arg8[%run_scoped3A_13, %dma_wait3A_56] : memref<2x128xi32, #tpu.memory_space<vmem>> -> memref<1x128xi32, #tpu.memory_space<vmem>>
      %dma_wait3A_58 = tpu.memref_squeeze %dma_wait3A_57 : memref<1x128xi32, #tpu.memory_space<vmem>> -> memref<128xi32, #tpu.memory_space<vmem>>
      %dma_wait3A_59 = tpu.memref_slice %arg3[%add3A_12] : memref<8192xi32, #tpu.memory_space<hbm>> -> memref<128xi32, #tpu.memory_space<hbm>>
      %dma_wait3A_60 = arith.constant 0 : i32
      %dma_wait3A_61 = tpu.memref_slice %arg8[%run_scoped3A_13, %dma_wait3A_60] : memref<2x128xi32, #tpu.memory_space<vmem>> -> memref<1x128xi32, #tpu.memory_space<vmem>>
      %dma_wait3A_62 = tpu.memref_squeeze %dma_wait3A_61 : memref<1x128xi32, #tpu.memory_space<vmem>> -> memref<128xi32, #tpu.memory_space<vmem>>
      %dma_wait3A_63 = tpu.memref_slice %arg3[%add3A_12] : memref<8192xi32, #tpu.memory_space<hbm>> -> memref<128xi32, #tpu.memory_space<hbm>>
      tpu.wait_dma2 semaphore(%run_scoped3A_47 : memref<!tpu.dma_semaphore, #tpu.memory_space<semaphore_mem>>) src(%dma_wait3A_63 : memref<128xi32, #tpu.memory_space<hbm>>) dst(%dma_wait3A_62 : memref<128xi32, #tpu.memory_space<vmem>>)
      tpu.yield
    }) : () -> ()
    %dma_start3A_14 = arith.constant 1 : i32
    %dma_start3A_15 = arith.constant 0 : i32
    %dma_start3A_16 = tpu.memref_slice %arg8[%dma_start3A_14, %dma_start3A_15] : memref<2x128xi32, #tpu.memory_space<vmem>> -> memref<1x128xi32, #tpu.memory_space<vmem>>
    %dma_start3A_17 = tpu.memref_squeeze %dma_start3A_16 : memref<1x128xi32, #tpu.memory_space<vmem>> -> memref<128xi32, #tpu.memory_space<vmem>>
    %dma_start3A_18 = arith.constant 0 : i32
    %dma_start3A_19 = arith.constant 0 : i32
    %dma_start3A_20 = tpu.memref_slice %arg2[%dma_start3A_18, %dma_start3A_19] : memref<8192x128xf32, #tpu.memory_space<hbm>> -> memref<8192x128xf32, #tpu.memory_space<hbm>>
    tpu.enqueue_indirect_dma source(%dma_start3A_20 : memref<8192x128xf32, #tpu.memory_space<hbm>>) target(%arg10 : memref<128x128xf32, #tpu.memory_space<vmem>>) offsets(%dma_start3A_17 : memref<128xi32, #tpu.memory_space<vmem>>) semaphore(%arg13 : memref<!tpu.dma_semaphore, #tpu.memory_space<semaphore_mem>>)
    "tpu.region"() ({
      %run_scoped3A_47 = tpu.sem_alloc : memref<!tpu.dma_semaphore, #tpu.memory_space<semaphore_mem>>
      tpu.enqueue_dma source(%arg5 : memref<128x128xf32, #tpu.memory_space<hbm>>) target(%arg11 : memref<128x128xf32, #tpu.memory_space<vmem>>) target_semaphore(%run_scoped3A_47 : memref<!tpu.dma_semaphore, #tpu.memory_space<semaphore_mem>>)
      tpu.wait_dma2 semaphore(%run_scoped3A_47 : memref<!tpu.dma_semaphore, #tpu.memory_space<semaphore_mem>>) src(%arg5 : memref<128x128xf32, #tpu.memory_space<hbm>>) dst(%arg11 : memref<128x128xf32, #tpu.memory_space<vmem>>)
      tpu.yield
    }) : () -> ()
    %mul3A_21 = arith.constant 512 : i32
    %mul3A_22 = arith.muli %arg1, %mul3A_21 : i32
    "tpu.region"() ({
      %run_scoped3A_47 = tpu.sem_alloc : memref<!tpu.dma_semaphore, #tpu.memory_space<semaphore_mem>>
      %dma_start3A_48 = arith.constant 0 : i32
      %dma_start3A_49 = tpu.memref_slice %arg12[%mul3A_22, %dma_start3A_48] : memref<8192x128xf32, #tpu.memory_space<vmem_shared>> -> memref<512x128xf32, #tpu.memory_space<vmem_shared>>
      tpu.enqueue_dma source(%arg4 : memref<512x128xf32, #tpu.memory_space<hbm>>) target(%dma_start3A_49 : memref<512x128xf32, #tpu.memory_space<vmem_shared>>) target_semaphore(%run_scoped3A_47 : memref<!tpu.dma_semaphore, #tpu.memory_space<semaphore_mem>>)
      %dma_wait3A_50 = arith.constant 0 : i32
      %dma_wait3A_51 = tpu.memref_slice %arg12[%mul3A_22, %dma_wait3A_50] : memref<8192x128xf32, #tpu.memory_space<vmem_shared>> -> memref<512x128xf32, #tpu.memory_space<vmem_shared>>
      tpu.wait_dma2 semaphore(%run_scoped3A_47 : memref<!tpu.dma_semaphore, #tpu.memory_space<semaphore_mem>>) src(%arg4 : memref<512x128xf32, #tpu.memory_space<hbm>>) dst(%dma_wait3A_51 : memref<512x128xf32, #tpu.memory_space<vmem_shared>>)
      tpu.yield
    }) : () -> ()
    %barrier3A = arith.constant 0 : index
    tpu.barrier barrier_id(%barrier3A)
    %run_scoped3A_23 = arith.constant 0 : i32
    "tpu.region"() ({
      %run_scoped3A_47 = tpu.sem_alloc : memref<!tpu.dma_semaphore, #tpu.memory_space<semaphore_mem>>
      %dma_start3A_48 = arith.constant 0 : i32
      %dma_start3A_49 = tpu.memref_slice %arg8[%run_scoped3A_23, %dma_start3A_48] : memref<2x128xi32, #tpu.memory_space<vmem>> -> memref<1x128xi32, #tpu.memory_space<vmem>>
      %dma_start3A_50 = tpu.memref_squeeze %dma_start3A_49 : memref<1x128xi32, #tpu.memory_space<vmem>> -> memref<128xi32, #tpu.memory_space<vmem>>
      %dma_start3A_51 = arith.constant 0 : i32
      %dma_start3A_52 = arith.constant 0 : i32
      %dma_start3A_53 = tpu.memref_slice %arg12[%dma_start3A_51, %dma_start3A_52] : memref<8192x128xf32, #tpu.memory_space<vmem_shared>> -> memref<8192x128xf32, #tpu.memory_space<vmem_shared>>
      tpu.enqueue_indirect_dma source(%arg11 : memref<128x128xf32, #tpu.memory_space<vmem>>) target(%dma_start3A_53 : memref<8192x128xf32, #tpu.memory_space<vmem_shared>>) offsets(%dma_start3A_50 : memref<128xi32, #tpu.memory_space<vmem>>) semaphore(%run_scoped3A_47 : memref<!tpu.dma_semaphore, #tpu.memory_space<semaphore_mem>>) {add = true}
      %dma_wait3A_54 = arith.constant 0 : i32
      %dma_wait3A_55 = tpu.memref_slice %arg8[%run_scoped3A_23, %dma_wait3A_54] : memref<2x128xi32, #tpu.memory_space<vmem>> -> memref<1x128xi32, #tpu.memory_space<vmem>>
      %dma_wait3A_56 = tpu.memref_squeeze %dma_wait3A_55 : memref<1x128xi32, #tpu.memory_space<vmem>> -> memref<128xi32, #tpu.memory_space<vmem>>
      %dma_wait3A_57 = arith.constant 0 : i32
      %dma_wait3A_58 = arith.constant 0 : i32
      %dma_wait3A_59 = tpu.memref_slice %arg12[%dma_wait3A_57, %dma_wait3A_58] : memref<8192x128xf32, #tpu.memory_space<vmem_shared>> -> memref<8192x128xf32, #tpu.memory_space<vmem_shared>>
      tpu.wait_indirect_dma semaphore(%run_scoped3A_47 : memref<!tpu.dma_semaphore, #tpu.memory_space<semaphore_mem>>) src(%arg11 : memref<128x128xf32, #tpu.memory_space<vmem>>) dst(%dma_wait3A_59 : memref<8192x128xf32, #tpu.memory_space<vmem_shared>>)
      tpu.yield
    }) : () -> ()
    %run_scoped3A_24 = arith.constant 1 : i32
    "tpu.region"() ({
      %run_scoped3A_47 = tpu.sem_alloc : memref<!tpu.dma_semaphore, #tpu.memory_space<semaphore_mem>>
      %dma_start3A_48 = arith.constant 0 : i32
      %dma_start3A_49 = tpu.memref_slice %arg8[%run_scoped3A_24, %dma_start3A_48] : memref<2x128xi32, #tpu.memory_space<vmem>> -> memref<1x128xi32, #tpu.memory_space<vmem>>
      %dma_start3A_50 = tpu.memref_squeeze %dma_start3A_49 : memref<1x128xi32, #tpu.memory_space<vmem>> -> memref<128xi32, #tpu.memory_space<vmem>>
      %dma_start3A_51 = arith.constant 0 : i32
      %dma_start3A_52 = arith.constant 0 : i32
      %dma_start3A_53 = tpu.memref_slice %arg12[%dma_start3A_51, %dma_start3A_52] : memref<8192x128xf32, #tpu.memory_space<vmem_shared>> -> memref<8192x128xf32, #tpu.memory_space<vmem_shared>>
      tpu.enqueue_indirect_dma source(%arg11 : memref<128x128xf32, #tpu.memory_space<vmem>>) target(%dma_start3A_53 : memref<8192x128xf32, #tpu.memory_space<vmem_shared>>) offsets(%dma_start3A_50 : memref<128xi32, #tpu.memory_space<vmem>>) semaphore(%run_scoped3A_47 : memref<!tpu.dma_semaphore, #tpu.memory_space<semaphore_mem>>) {add = true}
      %dma_wait3A_54 = arith.constant 0 : i32
      %dma_wait3A_55 = tpu.memref_slice %arg8[%run_scoped3A_24, %dma_wait3A_54] : memref<2x128xi32, #tpu.memory_space<vmem>> -> memref<1x128xi32, #tpu.memory_space<vmem>>
      %dma_wait3A_56 = tpu.memref_squeeze %dma_wait3A_55 : memref<1x128xi32, #tpu.memory_space<vmem>> -> memref<128xi32, #tpu.memory_space<vmem>>
      %dma_wait3A_57 = arith.constant 0 : i32
      %dma_wait3A_58 = arith.constant 0 : i32
      %dma_wait3A_59 = tpu.memref_slice %arg12[%dma_wait3A_57, %dma_wait3A_58] : memref<8192x128xf32, #tpu.memory_space<vmem_shared>> -> memref<8192x128xf32, #tpu.memory_space<vmem_shared>>
      tpu.wait_indirect_dma semaphore(%run_scoped3A_47 : memref<!tpu.dma_semaphore, #tpu.memory_space<semaphore_mem>>) src(%arg11 : memref<128x128xf32, #tpu.memory_space<vmem>>) dst(%dma_wait3A_59 : memref<8192x128xf32, #tpu.memory_space<vmem_shared>>)
      tpu.yield
    }) : () -> ()
    %dma_wait3A = arith.constant 0 : i32
    %dma_wait3A_25 = arith.constant 0 : i32
    %dma_wait3A_26 = tpu.memref_slice %arg8[%dma_wait3A, %dma_wait3A_25] : memref<2x128xi32, #tpu.memory_space<vmem>> -> memref<1x128xi32, #tpu.memory_space<vmem>>
    %dma_wait3A_27 = tpu.memref_squeeze %dma_wait3A_26 : memref<1x128xi32, #tpu.memory_space<vmem>> -> memref<128xi32, #tpu.memory_space<vmem>>
    %dma_wait3A_28 = arith.constant 0 : i32
    %dma_wait3A_29 = arith.constant 0 : i32
    %dma_wait3A_30 = tpu.memref_slice %arg2[%dma_wait3A_28, %dma_wait3A_29] : memref<8192x128xf32, #tpu.memory_space<hbm>> -> memref<8192x128xf32, #tpu.memory_space<hbm>>
    tpu.wait_indirect_dma semaphore(%arg13 : memref<!tpu.dma_semaphore, #tpu.memory_space<semaphore_mem>>) src(%dma_wait3A_30 : memref<8192x128xf32, #tpu.memory_space<hbm>>) dst(%arg9 : memref<128x128xf32, #tpu.memory_space<vmem>>)
    %add3A_31 = arith.constant 0 : i32
    %add3A_32 = arith.addi %mul3A_2, %add3A_31 : i32
    "tpu.region"() ({
      %run_scoped3A_47 = tpu.sem_alloc : memref<!tpu.dma_semaphore, #tpu.memory_space<semaphore_mem>>
      %dma_start3A_48 = arith.constant 0 : i32
      %dma_start3A_49 = tpu.memref_slice %arg6[%add3A_32, %dma_start3A_48] : memref<8192x128xf32, #tpu.memory_space<hbm>> -> memref<128x128xf32, #tpu.memory_space<hbm>>
      %dma_start3A_50 = arith.constant 0 : i32
      %dma_start3A_51 = tpu.memref_slice %arg6[%add3A_32, %dma_start3A_50] : memref<8192x128xf32, #tpu.memory_space<hbm>> -> memref<128x128xf32, #tpu.memory_space<hbm>>
      tpu.enqueue_dma source(%arg9 : memref<128x128xf32, #tpu.memory_space<vmem>>) target(%dma_start3A_51 : memref<128x128xf32, #tpu.memory_space<hbm>>) target_semaphore(%run_scoped3A_47 : memref<!tpu.dma_semaphore, #tpu.memory_space<semaphore_mem>>)
      %dma_wait3A_52 = arith.constant 0 : i32
      %dma_wait3A_53 = tpu.memref_slice %arg6[%add3A_32, %dma_wait3A_52] : memref<8192x128xf32, #tpu.memory_space<hbm>> -> memref<128x128xf32, #tpu.memory_space<hbm>>
      %dma_wait3A_54 = arith.constant 0 : i32
      %dma_wait3A_55 = tpu.memref_slice %arg6[%add3A_32, %dma_wait3A_54] : memref<8192x128xf32, #tpu.memory_space<hbm>> -> memref<128x128xf32, #tpu.memory_space<hbm>>
      tpu.wait_dma2 semaphore(%run_scoped3A_47 : memref<!tpu.dma_semaphore, #tpu.memory_space<semaphore_mem>>) src(%arg9 : memref<128x128xf32, #tpu.memory_space<vmem>>) dst(%dma_wait3A_55 : memref<128x128xf32, #tpu.memory_space<hbm>>)
      tpu.yield
    }) : () -> ()
    %dma_wait3A_33 = arith.constant 1 : i32
    %dma_wait3A_34 = arith.constant 0 : i32
    %dma_wait3A_35 = tpu.memref_slice %arg8[%dma_wait3A_33, %dma_wait3A_34] : memref<2x128xi32, #tpu.memory_space<vmem>> -> memref<1x128xi32, #tpu.memory_space<vmem>>
    %dma_wait3A_36 = tpu.memref_squeeze %dma_wait3A_35 : memref<1x128xi32, #tpu.memory_space<vmem>> -> memref<128xi32, #tpu.memory_space<vmem>>
    %dma_wait3A_37 = arith.constant 0 : i32
    %dma_wait3A_38 = arith.constant 0 : i32
    %dma_wait3A_39 = tpu.memref_slice %arg2[%dma_wait3A_37, %dma_wait3A_38] : memref<8192x128xf32, #tpu.memory_space<hbm>> -> memref<8192x128xf32, #tpu.memory_space<hbm>>
    tpu.wait_indirect_dma semaphore(%arg13 : memref<!tpu.dma_semaphore, #tpu.memory_space<semaphore_mem>>) src(%dma_wait3A_39 : memref<8192x128xf32, #tpu.memory_space<hbm>>) dst(%arg10 : memref<128x128xf32, #tpu.memory_space<vmem>>)
    %add3A_40 = arith.constant 128 : i32
    %add3A_41 = arith.addi %mul3A_2, %add3A_40 : i32
    "tpu.region"() ({
      %run_scoped3A_47 = tpu.sem_alloc : memref<!tpu.dma_semaphore, #tpu.memory_space<semaphore_mem>>
      %dma_start3A_48 = arith.constant 0 : i32
      %dma_start3A_49 = tpu.memref_slice %arg6[%add3A_41, %dma_start3A_48] : memref<8192x128xf32, #tpu.memory_space<hbm>> -> memref<128x128xf32, #tpu.memory_space<hbm>>
      %dma_start3A_50 = arith.constant 0 : i32
      %dma_start3A_51 = tpu.memref_slice %arg6[%add3A_41, %dma_start3A_50] : memref<8192x128xf32, #tpu.memory_space<hbm>> -> memref<128x128xf32, #tpu.memory_space<hbm>>
      tpu.enqueue_dma source(%arg10 : memref<128x128xf32, #tpu.memory_space<vmem>>) target(%dma_start3A_51 : memref<128x128xf32, #tpu.memory_space<hbm>>) target_semaphore(%run_scoped3A_47 : memref<!tpu.dma_semaphore, #tpu.memory_space<semaphore_mem>>)
      %dma_wait3A_52 = arith.constant 0 : i32
      %dma_wait3A_53 = tpu.memref_slice %arg6[%add3A_41, %dma_wait3A_52] : memref<8192x128xf32, #tpu.memory_space<hbm>> -> memref<128x128xf32, #tpu.memory_space<hbm>>
      %dma_wait3A_54 = arith.constant 0 : i32
      %dma_wait3A_55 = tpu.memref_slice %arg6[%add3A_41, %dma_wait3A_54] : memref<8192x128xf32, #tpu.memory_space<hbm>> -> memref<128x128xf32, #tpu.memory_space<hbm>>
      tpu.wait_dma2 semaphore(%run_scoped3A_47 : memref<!tpu.dma_semaphore, #tpu.memory_space<semaphore_mem>>) src(%arg10 : memref<128x128xf32, #tpu.memory_space<vmem>>) dst(%dma_wait3A_55 : memref<128x128xf32, #tpu.memory_space<hbm>>)
      tpu.yield
    }) : () -> ()
    %barrier3A_42 = arith.constant 0 : index
    tpu.barrier barrier_id(%barrier3A_42)
    %mul3A_43 = arith.constant 512 : i32
    %mul3A_44 = arith.muli %arg1, %mul3A_43 : i32
    %mul3A_45 = arith.constant 512 : i32
    %mul3A_46 = arith.muli %arg1, %mul3A_45 : i32
    "tpu.region"() ({
      %run_scoped3A_47 = tpu.sem_alloc : memref<!tpu.dma_semaphore, #tpu.memory_space<semaphore_mem>>
      %dma_start3A_48 = arith.constant 0 : i32
      %dma_start3A_49 = tpu.memref_slice %arg7[%arg0, %mul3A_46, %dma_start3A_48] : memref<2x8192x128xf32, #tpu.memory_space<hbm>> -> memref<1x512x128xf32, #tpu.memory_space<hbm>>
      %dma_start3A_50 = tpu.memref_squeeze %dma_start3A_49 : memref<1x512x128xf32, #tpu.memory_space<hbm>> -> memref<512x128xf32, #tpu.memory_space<hbm>>
      %dma_start3A_51 = arith.constant 0 : i32
      %dma_start3A_52 = tpu.memref_slice %arg12[%mul3A_44, %dma_start3A_51] : memref<8192x128xf32, #tpu.memory_space<vmem_shared>> -> memref<512x128xf32, #tpu.memory_space<vmem_shared>>
      tpu.enqueue_dma source(%dma_start3A_52 : memref<512x128xf32, #tpu.memory_space<vmem_shared>>) target(%dma_start3A_50 : memref<512x128xf32, #tpu.memory_space<hbm>>) target_semaphore(%run_scoped3A_47 : memref<!tpu.dma_semaphore, #tpu.memory_space<semaphore_mem>>)
      %dma_wait3A_53 = arith.constant 0 : i32
      %dma_wait3A_54 = tpu.memref_slice %arg7[%arg0, %mul3A_46, %dma_wait3A_53] : memref<2x8192x128xf32, #tpu.memory_space<hbm>> -> memref<1x512x128xf32, #tpu.memory_space<hbm>>
      %dma_wait3A_55 = tpu.memref_squeeze %dma_wait3A_54 : memref<1x512x128xf32, #tpu.memory_space<hbm>> -> memref<512x128xf32, #tpu.memory_space<hbm>>
      %dma_wait3A_56 = arith.constant 0 : i32
      %dma_wait3A_57 = tpu.memref_slice %arg12[%mul3A_44, %dma_wait3A_56] : memref<8192x128xf32, #tpu.memory_space<vmem_shared>> -> memref<512x128xf32, #tpu.memory_space<vmem_shared>>
      tpu.wait_dma2 semaphore(%run_scoped3A_47 : memref<!tpu.dma_semaphore, #tpu.memory_space<semaphore_mem>>) src(%dma_wait3A_57 : memref<512x128xf32, #tpu.memory_space<vmem_shared>>) dst(%dma_wait3A_55 : memref<512x128xf32, #tpu.memory_space<hbm>>)
      tpu.yield
    }) : () -> ()
    return
  }
}

module attributes {stable_mosaic.version = 14 : i64} {
  func.func @_proj_argmin_body(%arg0: i32, %arg1: memref<512x768xf32, #tpu.memory_space<vmem>>, %arg2: memref<64x768xf32, #tpu.memory_space<vmem>>, %arg3: memref<1x64xf32, #tpu.memory_space<vmem>>, %arg4: memref<8192x64xf32, #tpu.memory_space<vmem>>, %arg5: memref<1x1x512xi32, #tpu.memory_space<vmem>>, %arg6: memref<1x1x512xf32, #tpu.memory_space<vmem>>) attributes {dimension_semantics = [#tpu.dimension_semantics<arbitrary>], iteration_bounds = array<i64: 16>, scalar_prefetch = 0 : i64, scratch_operands = 0 : i64, tpu.core_type = #tpu.core_type<tc>, window_params = [{transform_indices = @transform_0, window_bounds = array<i64: 512, 768>}, {pipeline_mode = #tpu.pipeline_mode<synchronous>, transform_indices = @transform_1, window_bounds = array<i64: 64, 768>}, {pipeline_mode = #tpu.pipeline_mode<synchronous>, transform_indices = @transform_2, window_bounds = array<i64: 1, 64>}, {pipeline_mode = #tpu.pipeline_mode<synchronous>, transform_indices = @transform_3, window_bounds = array<i64: 8192, 64>}, {transform_indices = @transform_4, window_bounds = array<i64: 1, 1, 512>}, {transform_indices = @transform_5, window_bounds = array<i64: 1, 1, 512>}]} {
    %get3A = arith.constant 0 : index
    %get3A_0 = arith.constant 0 : index
    %get3A_1 = vector.load %arg1[%get3A, %get3A_0] : memref<512x768xf32, #tpu.memory_space<vmem>>, vector<512x768xf32>
    %convert_element_type3A = arith.truncf %get3A_1 : vector<512x768xf32> to vector<512x768xbf16>
    %get3A_2 = arith.constant 0 : index
    %get3A_3 = arith.constant 0 : index
    %get3A_4 = vector.load %arg2[%get3A_2, %get3A_3] : memref<64x768xf32, #tpu.memory_space<vmem>>, vector<64x768xf32>
    %convert_element_type3A_5 = arith.truncf %get3A_4 : vector<64x768xf32> to vector<64x768xbf16>
    %dot_general3A = arith.constant dense<0.000000e+00> : vector<512x64xf32>
    %dot_general3A_6 = tpu.matmul %convert_element_type3A, %convert_element_type3A_5, %dot_general3A {dimension_numbers = #tpu.dot_dimension_numbers<[1], [1], [0], [0], [0, 0, 1, 0], [], []>, transpose_lhs_hint = false} : vector<512x768xbf16>, vector<64x768xbf16>, vector<512x64xf32> -> vector<512x64xf32>
    %get3A_7 = arith.constant 0 : index
    %get3A_8 = arith.constant 0 : index
    %get3A_9 = vector.load %arg3[%get3A_7, %get3A_8] : memref<1x64xf32, #tpu.memory_space<vmem>>, vector<1x64xf32>
    %add3A = vector.broadcast %get3A_9 : vector<1x64xf32> to vector<512x64xf32>
    %add3A_10 = arith.addf %dot_general3A_6, %add3A : vector<512x64xf32>
    %mul3A = arith.mulf %add3A_10, %add3A_10 : vector<512x64xf32>
    %reduce_sum3A = arith.constant dense<0.000000e+00> : vector<512xf32>
    %reduce_sum3A_11 = vector.multi_reduction <add>, %mul3A, %reduce_sum3A [1] : vector<512x64xf32> to vector<512xf32>
    %broadcast_in_dim3A = vector.shape_cast %reduce_sum3A_11 : vector<512xf32> to vector<512x1xf32>
    %mul3A_12 = arith.constant 2.000000e+00 : f32
    %mul3A_13 = vector.broadcast %mul3A_12 : f32 to vector<512x64xf32>
    %mul3A_14 = arith.mulf %mul3A_13, %add3A_10 : vector<512x64xf32>
    %convert_element_type3A_15 = arith.truncf %mul3A_14 : vector<512x64xf32> to vector<512x64xbf16>
    %iota3A = tpu.iota {dimensions = array<i32: 1>} : vector<512x2048xi32>
    %get3A_16 = arith.constant 0 : index
    %get3A_17 = arith.constant 0 : index
    %get3A_18 = vector.load %arg4[%get3A_16, %get3A_17] : memref<8192x64xf32, #tpu.memory_space<vmem>>, vector<2048x64xf32>
    %mul3A_19 = arith.mulf %get3A_18, %get3A_18 : vector<2048x64xf32>
    %reduce_sum3A_20 = arith.constant dense<0.000000e+00> : vector<2048xf32>
    %reduce_sum3A_21 = vector.multi_reduction <add>, %mul3A_19, %reduce_sum3A_20 [1] : vector<2048x64xf32> to vector<2048xf32>
    %convert_element_type3A_22 = arith.truncf %get3A_18 : vector<2048x64xf32> to vector<2048x64xbf16>
    %dot_general3A_23 = arith.constant dense<0.000000e+00> : vector<512x2048xf32>
    %dot_general3A_24 = tpu.matmul %convert_element_type3A_15, %convert_element_type3A_22, %dot_general3A_23 {dimension_numbers = #tpu.dot_dimension_numbers<[1], [1], [0], [0], [0, 0, 1, 0], [], []>, transpose_lhs_hint = false} : vector<512x64xbf16>, vector<2048x64xbf16>, vector<512x2048xf32> -> vector<512x2048xf32>
    %broadcast_in_dim3A_25 = vector.shape_cast %reduce_sum3A_21 : vector<2048xf32> to vector<1x2048xf32>
    %add3A_26 = vector.broadcast %broadcast_in_dim3A : vector<512x1xf32> to vector<512x2048xf32>
    %add3A_27 = vector.broadcast %broadcast_in_dim3A_25 : vector<1x2048xf32> to vector<512x2048xf32>
    %add3A_28 = arith.addf %add3A_26, %add3A_27 : vector<512x2048xf32>
    %sub3A = arith.subf %add3A_28, %dot_general3A_24 : vector<512x2048xf32>
    %reduce_min3A = arith.constant dense<0x7F800000> : vector<512xf32>
    %reduce_min3A_29 = vector.multi_reduction <minimumf>, %sub3A, %reduce_min3A [1] : vector<512x2048xf32> to vector<512xf32>
    %broadcast_in_dim3A_30 = vector.shape_cast %reduce_min3A_29 : vector<512xf32> to vector<512x1xf32>
    %eq3A = vector.broadcast %broadcast_in_dim3A_30 : vector<512x1xf32> to vector<512x2048xf32>
    %eq3A_31 = arith.cmpf oeq, %sub3A, %eq3A : vector<512x2048xf32>
    %jit3A = arith.constant 8192 : i32
    %broadcast_in_dim3A_32 = vector.broadcast %jit3A : i32 to vector<512x2048xi32>
    %select_n3A = arith.select %eq3A_31, %iota3A, %broadcast_in_dim3A_32 : vector<512x2048xi1>, vector<512x2048xi32>
    %reduce_min3A_33 = arith.constant dense<2147483647> : vector<512xi32>
    %reduce_min3A_34 = vector.multi_reduction <minsi>, %select_n3A, %reduce_min3A_33 [1] : vector<512x2048xi32> to vector<512xi32>
    %add3A_35 = arith.constant 0 : i32
    %add3A_36 = vector.broadcast %add3A_35 : i32 to vector<512xi32>
    %add3A_37 = arith.addi %reduce_min3A_34, %add3A_36 : vector<512xi32>
    %convert_element_type3A_38 = arith.truncf %reduce_min3A_29 : vector<512xf32> to vector<512xbf16>
    %convert_element_type3A_39 = arith.extf %convert_element_type3A_38 : vector<512xbf16> to vector<512xf32>
    %get3A_40 = arith.constant 2048 : index
    %get3A_41 = arith.constant 0 : index
    %get3A_42 = vector.load %arg4[%get3A_40, %get3A_41] : memref<8192x64xf32, #tpu.memory_space<vmem>>, vector<2048x64xf32>
    %mul3A_43 = arith.mulf %get3A_42, %get3A_42 : vector<2048x64xf32>
    %reduce_sum3A_44 = arith.constant dense<0.000000e+00> : vector<2048xf32>
    %reduce_sum3A_45 = vector.multi_reduction <add>, %mul3A_43, %reduce_sum3A_44 [1] : vector<2048x64xf32> to vector<2048xf32>
    %convert_element_type3A_46 = arith.truncf %get3A_42 : vector<2048x64xf32> to vector<2048x64xbf16>
    %dot_general3A_47 = arith.constant dense<0.000000e+00> : vector<512x2048xf32>
    %dot_general3A_48 = tpu.matmul %convert_element_type3A_15, %convert_element_type3A_46, %dot_general3A_47 {dimension_numbers = #tpu.dot_dimension_numbers<[1], [1], [0], [0], [0, 0, 1, 0], [], []>, transpose_lhs_hint = false} : vector<512x64xbf16>, vector<2048x64xbf16>, vector<512x2048xf32> -> vector<512x2048xf32>
    %broadcast_in_dim3A_49 = vector.shape_cast %reduce_sum3A_45 : vector<2048xf32> to vector<1x2048xf32>
    %add3A_50 = vector.broadcast %broadcast_in_dim3A : vector<512x1xf32> to vector<512x2048xf32>
    %add3A_51 = vector.broadcast %broadcast_in_dim3A_49 : vector<1x2048xf32> to vector<512x2048xf32>
    %add3A_52 = arith.addf %add3A_50, %add3A_51 : vector<512x2048xf32>
    %sub3A_53 = arith.subf %add3A_52, %dot_general3A_48 : vector<512x2048xf32>
    %reduce_min3A_54 = arith.constant dense<0x7F800000> : vector<512xf32>
    %reduce_min3A_55 = vector.multi_reduction <minimumf>, %sub3A_53, %reduce_min3A_54 [1] : vector<512x2048xf32> to vector<512xf32>
    %broadcast_in_dim3A_56 = vector.shape_cast %reduce_min3A_55 : vector<512xf32> to vector<512x1xf32>
    %eq3A_57 = vector.broadcast %broadcast_in_dim3A_56 : vector<512x1xf32> to vector<512x2048xf32>
    %eq3A_58 = arith.cmpf oeq, %sub3A_53, %eq3A_57 : vector<512x2048xf32>
    %jit3A_59 = arith.constant 8192 : i32
    %broadcast_in_dim3A_60 = vector.broadcast %jit3A_59 : i32 to vector<512x2048xi32>
    %select_n3A_61 = arith.select %eq3A_58, %iota3A, %broadcast_in_dim3A_60 : vector<512x2048xi1>, vector<512x2048xi32>
    %reduce_min3A_62 = arith.constant dense<2147483647> : vector<512xi32>
    %reduce_min3A_63 = vector.multi_reduction <minsi>, %select_n3A_61, %reduce_min3A_62 [1] : vector<512x2048xi32> to vector<512xi32>
    %add3A_64 = arith.constant 2048 : i32
    %add3A_65 = vector.broadcast %add3A_64 : i32 to vector<512xi32>
    %add3A_66 = arith.addi %reduce_min3A_63, %add3A_65 : vector<512xi32>
    %lt3A = arith.cmpf olt, %reduce_min3A_55, %convert_element_type3A_39 : vector<512xf32>
    %select_n3A_67 = arith.select %lt3A, %reduce_min3A_55, %convert_element_type3A_39 : vector<512xi1>, vector<512xf32>
    %select_n3A_68 = arith.select %lt3A, %add3A_66, %add3A_37 : vector<512xi1>, vector<512xi32>
    %select_n3A_69 = arith.select %lt3A, %reduce_min3A_55, %reduce_min3A_29 : vector<512xi1>, vector<512xf32>
    %convert_element_type3A_70 = arith.truncf %select_n3A_67 : vector<512xf32> to vector<512xbf16>
    %convert_element_type3A_71 = arith.extf %convert_element_type3A_70 : vector<512xbf16> to vector<512xf32>
    %get3A_72 = arith.constant 4096 : index
    %get3A_73 = arith.constant 0 : index
    %get3A_74 = vector.load %arg4[%get3A_72, %get3A_73] : memref<8192x64xf32, #tpu.memory_space<vmem>>, vector<2048x64xf32>
    %mul3A_75 = arith.mulf %get3A_74, %get3A_74 : vector<2048x64xf32>
    %reduce_sum3A_76 = arith.constant dense<0.000000e+00> : vector<2048xf32>
    %reduce_sum3A_77 = vector.multi_reduction <add>, %mul3A_75, %reduce_sum3A_76 [1] : vector<2048x64xf32> to vector<2048xf32>
    %convert_element_type3A_78 = arith.truncf %get3A_74 : vector<2048x64xf32> to vector<2048x64xbf16>
    %dot_general3A_79 = arith.constant dense<0.000000e+00> : vector<512x2048xf32>
    %dot_general3A_80 = tpu.matmul %convert_element_type3A_15, %convert_element_type3A_78, %dot_general3A_79 {dimension_numbers = #tpu.dot_dimension_numbers<[1], [1], [0], [0], [0, 0, 1, 0], [], []>, transpose_lhs_hint = false} : vector<512x64xbf16>, vector<2048x64xbf16>, vector<512x2048xf32> -> vector<512x2048xf32>
    %broadcast_in_dim3A_81 = vector.shape_cast %reduce_sum3A_77 : vector<2048xf32> to vector<1x2048xf32>
    %add3A_82 = vector.broadcast %broadcast_in_dim3A : vector<512x1xf32> to vector<512x2048xf32>
    %add3A_83 = vector.broadcast %broadcast_in_dim3A_81 : vector<1x2048xf32> to vector<512x2048xf32>
    %add3A_84 = arith.addf %add3A_82, %add3A_83 : vector<512x2048xf32>
    %sub3A_85 = arith.subf %add3A_84, %dot_general3A_80 : vector<512x2048xf32>
    %reduce_min3A_86 = arith.constant dense<0x7F800000> : vector<512xf32>
    %reduce_min3A_87 = vector.multi_reduction <minimumf>, %sub3A_85, %reduce_min3A_86 [1] : vector<512x2048xf32> to vector<512xf32>
    %broadcast_in_dim3A_88 = vector.shape_cast %reduce_min3A_87 : vector<512xf32> to vector<512x1xf32>
    %eq3A_89 = vector.broadcast %broadcast_in_dim3A_88 : vector<512x1xf32> to vector<512x2048xf32>
    %eq3A_90 = arith.cmpf oeq, %sub3A_85, %eq3A_89 : vector<512x2048xf32>
    %jit3A_91 = arith.constant 8192 : i32
    %broadcast_in_dim3A_92 = vector.broadcast %jit3A_91 : i32 to vector<512x2048xi32>
    %select_n3A_93 = arith.select %eq3A_90, %iota3A, %broadcast_in_dim3A_92 : vector<512x2048xi1>, vector<512x2048xi32>
    %reduce_min3A_94 = arith.constant dense<2147483647> : vector<512xi32>
    %reduce_min3A_95 = vector.multi_reduction <minsi>, %select_n3A_93, %reduce_min3A_94 [1] : vector<512x2048xi32> to vector<512xi32>
    %add3A_96 = arith.constant 4096 : i32
    %add3A_97 = vector.broadcast %add3A_96 : i32 to vector<512xi32>
    %add3A_98 = arith.addi %reduce_min3A_95, %add3A_97 : vector<512xi32>
    %lt3A_99 = arith.cmpf olt, %reduce_min3A_87, %convert_element_type3A_71 : vector<512xf32>
    %select_n3A_100 = arith.select %lt3A_99, %reduce_min3A_87, %convert_element_type3A_71 : vector<512xi1>, vector<512xf32>
    %select_n3A_101 = arith.select %lt3A_99, %add3A_98, %select_n3A_68 : vector<512xi1>, vector<512xi32>
    %select_n3A_102 = arith.select %lt3A_99, %reduce_min3A_87, %select_n3A_69 : vector<512xi1>, vector<512xf32>
    %convert_element_type3A_103 = arith.truncf %select_n3A_100 : vector<512xf32> to vector<512xbf16>
    %convert_element_type3A_104 = arith.extf %convert_element_type3A_103 : vector<512xbf16> to vector<512xf32>
    %get3A_105 = arith.constant 6144 : index
    %get3A_106 = arith.constant 0 : index
    %get3A_107 = vector.load %arg4[%get3A_105, %get3A_106] : memref<8192x64xf32, #tpu.memory_space<vmem>>, vector<2048x64xf32>
    %mul3A_108 = arith.mulf %get3A_107, %get3A_107 : vector<2048x64xf32>
    %reduce_sum3A_109 = arith.constant dense<0.000000e+00> : vector<2048xf32>
    %reduce_sum3A_110 = vector.multi_reduction <add>, %mul3A_108, %reduce_sum3A_109 [1] : vector<2048x64xf32> to vector<2048xf32>
    %convert_element_type3A_111 = arith.truncf %get3A_107 : vector<2048x64xf32> to vector<2048x64xbf16>
    %dot_general3A_112 = arith.constant dense<0.000000e+00> : vector<512x2048xf32>
    %dot_general3A_113 = tpu.matmul %convert_element_type3A_15, %convert_element_type3A_111, %dot_general3A_112 {dimension_numbers = #tpu.dot_dimension_numbers<[1], [1], [0], [0], [0, 0, 1, 0], [], []>, transpose_lhs_hint = false} : vector<512x64xbf16>, vector<2048x64xbf16>, vector<512x2048xf32> -> vector<512x2048xf32>
    %broadcast_in_dim3A_114 = vector.shape_cast %reduce_sum3A_110 : vector<2048xf32> to vector<1x2048xf32>
    %add3A_115 = vector.broadcast %broadcast_in_dim3A : vector<512x1xf32> to vector<512x2048xf32>
    %add3A_116 = vector.broadcast %broadcast_in_dim3A_114 : vector<1x2048xf32> to vector<512x2048xf32>
    %add3A_117 = arith.addf %add3A_115, %add3A_116 : vector<512x2048xf32>
    %sub3A_118 = arith.subf %add3A_117, %dot_general3A_113 : vector<512x2048xf32>
    %reduce_min3A_119 = arith.constant dense<0x7F800000> : vector<512xf32>
    %reduce_min3A_120 = vector.multi_reduction <minimumf>, %sub3A_118, %reduce_min3A_119 [1] : vector<512x2048xf32> to vector<512xf32>
    %broadcast_in_dim3A_121 = vector.shape_cast %reduce_min3A_120 : vector<512xf32> to vector<512x1xf32>
    %eq3A_122 = vector.broadcast %broadcast_in_dim3A_121 : vector<512x1xf32> to vector<512x2048xf32>
    %eq3A_123 = arith.cmpf oeq, %sub3A_118, %eq3A_122 : vector<512x2048xf32>
    %jit3A_124 = arith.constant 8192 : i32
    %broadcast_in_dim3A_125 = vector.broadcast %jit3A_124 : i32 to vector<512x2048xi32>
    %select_n3A_126 = arith.select %eq3A_123, %iota3A, %broadcast_in_dim3A_125 : vector<512x2048xi1>, vector<512x2048xi32>
    %reduce_min3A_127 = arith.constant dense<2147483647> : vector<512xi32>
    %reduce_min3A_128 = vector.multi_reduction <minsi>, %select_n3A_126, %reduce_min3A_127 [1] : vector<512x2048xi32> to vector<512xi32>
    %add3A_129 = arith.constant 6144 : i32
    %add3A_130 = vector.broadcast %add3A_129 : i32 to vector<512xi32>
    %add3A_131 = arith.addi %reduce_min3A_128, %add3A_130 : vector<512xi32>
    %lt3A_132 = arith.cmpf olt, %reduce_min3A_120, %convert_element_type3A_104 : vector<512xf32>
    %select_n3A_133 = arith.select %lt3A_132, %add3A_131, %select_n3A_101 : vector<512xi1>, vector<512xi32>
    %select_n3A_134 = arith.select %lt3A_132, %reduce_min3A_120, %select_n3A_102 : vector<512xi1>, vector<512xf32>
    %swap3A = arith.constant 0 : index
    %swap3A_135 = arith.constant 0 : index
    %swap3A_136 = arith.constant 0 : index
    %swap3A_137 = vector.load %arg5[%swap3A, %swap3A_135, %swap3A_136] : memref<1x1x512xi32, #tpu.memory_space<vmem>>, vector<1x1x512xi32>
    %swap3A_138 = vector.shape_cast %swap3A_137 : vector<1x1x512xi32> to vector<512xi32>
    %swap3A_139 = vector.shape_cast %select_n3A_133 : vector<512xi32> to vector<1x1x512xi32>
    tpu.vector_store %arg5[%swap3A, %swap3A_135, %swap3A_136], %swap3A_139 {strides = array<i32>} : memref<1x1x512xi32, #tpu.memory_space<vmem>>, vector<1x1x512xi32>,
    %swap3A_140 = arith.constant 0 : index
    %swap3A_141 = arith.constant 0 : index
    %swap3A_142 = arith.constant 0 : index
    %swap3A_143 = vector.load %arg6[%swap3A_140, %swap3A_141, %swap3A_142] : memref<1x1x512xf32, #tpu.memory_space<vmem>>, vector<1x1x512xf32>
    %swap3A_144 = vector.shape_cast %swap3A_143 : vector<1x1x512xf32> to vector<512xf32>
    %swap3A_145 = vector.shape_cast %select_n3A_134 : vector<512xf32> to vector<1x1x512xf32>
    tpu.vector_store %arg6[%swap3A_140, %swap3A_141, %swap3A_142], %swap3A_145 {strides = array<i32>} : memref<1x1x512xf32, #tpu.memory_space<vmem>>, vector<1x1x512xf32>,
    return
  }
  func.func @transform_0(%arg0: i32) -> (i32, i32) {
    %c0_i32 = arith.constant 0 : i32
    %c0_i32_0 = arith.constant 0 : i32
    return %arg0, %c0_i32 : i32, i32
  }
  func.func @transform_1(%arg0: i32) -> (i32, i32) {
    %c0_i32 = arith.constant 0 : i32
    %c0_i32_0 = arith.constant 0 : i32
    %c0_i32_1 = arith.constant 0 : i32
    return %c0_i32, %c0_i32_0 : i32, i32
  }
  func.func @transform_2(%arg0: i32) -> (i32, i32) {
    %c0_i32 = arith.constant 0 : i32
    %c0_i32_0 = arith.constant 0 : i32
    %c0_i32_1 = arith.constant 0 : i32
    return %c0_i32, %c0_i32_0 : i32, i32
  }
  func.func @transform_3(%arg0: i32) -> (i32, i32) {
    %c0_i32 = arith.constant 0 : i32
    %c0_i32_0 = arith.constant 0 : i32
    %c0_i32_1 = arith.constant 0 : i32
    return %c0_i32, %c0_i32_0 : i32, i32
  }
  func.func @transform_4(%arg0: i32) -> (i32, i32, i32) {
    %c0_i32 = arith.constant 0 : i32
    %c0_i32_0 = arith.constant 0 : i32
    %c0_i32_1 = arith.constant 0 : i32
    return %arg0, %c0_i32, %c0_i32_0 : i32, i32, i32
  }
  func.func @transform_5(%arg0: i32) -> (i32, i32, i32) {
    %c0_i32 = arith.constant 0 : i32
    %c0_i32_0 = arith.constant 0 : i32
    %c0_i32_1 = arith.constant 0 : i32
    return %arg0, %c0_i32, %c0_i32_0 : i32, i32, i32
  }
}

module attributes {stable_mosaic.version = 14 : i64} {
  func.func @_scalar_body(%arg0: memref<2x8192x128xf32, #tpu.memory_space<vmem>>, %arg1: memref<64x128xf32, #tpu.memory_space<vmem>>, %arg2: memref<1x1xf32, #tpu.memory_space<smem>>, %arg3: memref<1x1xf32, #tpu.memory_space<smem>>) attributes {dimension_semantics = [], scalar_prefetch = 0 : i64, scratch_operands = 0 : i64, tpu.core_type = #tpu.core_type<tc>} {
    %get3A = arith.constant 0 : index
    %get3A_0 = arith.constant 0 : index
    %get3A_1 = arith.constant 0 : index
    %get3A_2 = vector.load %arg0[%get3A, %get3A_0, %get3A_1] : memref<2x8192x128xf32, #tpu.memory_space<vmem>>, vector<2x8192x128xf32>
    %reduce_sum3A = arith.constant dense<0.000000e+00> : vector<8192xf32>
    %reduce_sum3A_3 = vector.multi_reduction <add>, %get3A_2, %reduce_sum3A [0, 2] : vector<2x8192x128xf32> to vector<8192xf32>
    %mul3A = arith.constant 9.53674316E-7 : f32
    %mul3A_4 = vector.broadcast %mul3A : f32 to vector<8192xf32>
    %mul3A_5 = arith.mulf %reduce_sum3A_3, %mul3A_4 : vector<8192xf32>
    %add3A = arith.constant 1.000000e-10 : f32
    %add3A_6 = vector.broadcast %add3A : f32 to vector<8192xf32>
    %add3A_7 = arith.addf %mul3A_5, %add3A_6 : vector<8192xf32>
    %log3A = math.log %add3A_7 : vector<8192xf32>
    %mul3A_8 = arith.mulf %mul3A_5, %log3A : vector<8192xf32>
    %reduce_sum3A_9 = vector.shape_cast %mul3A_8 : vector<8192xf32> to vector<1x8192xf32>
    %reduce_sum3A_10 = arith.constant dense<0.000000e+00> : vector<1xf32>
    %reduce_sum3A_11 = vector.multi_reduction <add>, %reduce_sum3A_9, %reduce_sum3A_10 [1] : vector<1x8192xf32> to vector<1xf32>
    %reduce_sum3A_12 = vector.shape_cast %reduce_sum3A_11 : vector<1xf32> to vector<1x1xf32>
    %reduce_sum3A_13 = vector.extract %reduce_sum3A_12[0, 0] : f32 from vector<1x1xf32>
    %neg3A = arith.constant 0.000000e+00 : f32
    %neg3A_14 = arith.subf %neg3A, %reduce_sum3A_13 : f32
    %exp3A = math.exp %neg3A_14 : f32
    %swap3A = arith.constant 0 : index
    %swap3A_15 = arith.constant 0 : index
    %swap3A_16 = memref.load %arg3[%swap3A, %swap3A_15] : memref<1x1xf32, #tpu.memory_space<smem>>
    memref.store %exp3A, %arg3[%swap3A, %swap3A_15] : memref<1x1xf32, #tpu.memory_space<smem>>
    %get3A_17 = arith.constant 0 : index
    %get3A_18 = arith.constant 0 : index
    %get3A_19 = vector.load %arg1[%get3A_17, %get3A_18] : memref<64x128xf32, #tpu.memory_space<vmem>>, vector<64x128xf32>
    %reduce_sum3A_20 = vector.shape_cast %get3A_19 : vector<64x128xf32> to vector<1x64x128xf32>
    %reduce_sum3A_21 = arith.constant dense<0.000000e+00> : vector<1xf32>
    %reduce_sum3A_22 = vector.multi_reduction <add>, %reduce_sum3A_20, %reduce_sum3A_21 [1, 2] : vector<1x64x128xf32> to vector<1xf32>
    %reduce_sum3A_23 = vector.shape_cast %reduce_sum3A_22 : vector<1xf32> to vector<1x1x1xf32>
    %reduce_sum3A_24 = vector.extract %reduce_sum3A_23[0, 0, 0] : f32 from vector<1x1x1xf32>
    %mul3A_25 = arith.constant 1.90734863E-6 : f32
    %mul3A_26 = arith.mulf %reduce_sum3A_24, %mul3A_25 : f32
    %mul3A_27 = arith.constant 2.500000e-01 : f32
    %mul3A_28 = arith.mulf %mul3A_27, %mul3A_26 : f32
    %add3A_29 = arith.addf %mul3A_26, %mul3A_28 : f32
    %swap3A_30 = arith.constant 0 : index
    %swap3A_31 = arith.constant 0 : index
    %swap3A_32 = memref.load %arg2[%swap3A_30, %swap3A_31] : memref<1x1xf32, #tpu.memory_space<smem>>
    memref.store %add3A_29, %arg2[%swap3A_30, %swap3A_31] : memref<1x1xf32, #tpu.memory_space<smem>>
    return
  }
}

</mosaic_0001>

<sc_bundles>
// kernel: kernel.5.cloned.1.call-start
scs
__scs_entry_jumppad:
0x0: {  	(pc) =	sbr.rel $0x88, $3  }
0x1: {  	(tag) =	ssettag $0x0;
	lr =	simm.s32 $0x1  }
0x2: {  	[smem:$0x3F9D] =	sst lr;
	_ =	strace $0xD0000000  }
0x3: {  	_ = 	snop  }
0x4: {  	_ = 	snop  }
0x5: {  	_ = 	snop  }
0x6: {  	_ = 	snop  }
0x7: {  	_ = 	snop  }
__scs_overlays_trampoline_lowered:
0x8: {  	[smem:$0x3FAC] =	sst s0  }
0x9: {  	[smem:$0x3FAD] =	sst s1  }
0xa: {  	[smem:$0x3FAE] =	sst s2  }
0xb: {  	[smem:$0x3FAF] =	sst s3  }
0xc: {  	[smem:$0x3FB0] =	sst s4  }
0xd: {  	[smem:$0x3FB1] =	sst s5  }
0xe: {  	[smem:$0x3FB2] =	sst s6  }
0xf: {  	[smem:$0x3FB3] =	sst s7  }
0x10: {  	[smem:$0x3FB4] =	sst s8  }
0x11: {  	[smem:$0x3FB5] =	sst s9;
	s0 =	simm.s32 @!p0 $0x0  }
0x12: {  	s1 =	sld [smem:$0x3F9B];
	s0 =	simm.s32 @p0 $0x1  }
0x13: {  	[smem:$0x3FB6] =	sst s0;
	s0 =	simm.s32 @!p1 $0x0  }
0x14: {  	s2 =	sld [smem:$0x3F9A];
	s0 =	simm.s32 @p1 $0x1  }
0x15: {  	[smem:$0x3FB7] =	sst s0;
	s0 =	simm.s32 @!p2 $0x0  }
0x16: {  	s3 =	sld [smem:$0x3FDB];
	s0 =	simm.s32 @p2 $0x1  }
0x17: {  	s4 =	simm.s32 $0x1BF5;
	[smem:$0x3FB9] =	sst s0  }
0x18: {  	s0 =	sld [smem:$0x3F9C];
	_ =	swait.ge [sflag:s4], $0x0  }
0x19: {  	s7 =	sld [smem:$0x3F9D]  }
0x1a: {  	s8 =	sadd.s32 $0xFFFFE003, lr  }
0x1b: {  	s9 =	sadd.s32 $0xFFFFFEF7, lr;
	s5 =	simm.s32 $0xFFFFFFFF;
	p2 =	slt.u32 s8, $0xFFFFF086  }
0x1c: {  	p1 =	slt.u32 s9, $0xF7A;
	s5 =	simm.s32 @!p2 $0x0  }
0x1d: {  	s5 =	simm.s32 @p1 $0x1;
	p0 =	seq.s32 s7, s2  }
0x1e: {  	s7 =	smul.u32 @!p0 $0xF7A, s2;
	p2 =	seq.s32 @!p0 s5, $0x0  }
0x1f: {  	s9 =	smul.u32 $0xF7A, s1;
	s8 =	simm.s32 @!p0 $0x1BF5;
	p2 =	por !p2, p0  }
0x20: {  	[sflag:s8] =	ssyncset.s32 @!p0 $0xFFFFF086;
	s6 =	sadd.s32 @!p0 s3, s7;
	s7 =	simm.s32 @!p0 $0x108  }
0x21: {  	s3 =	sadd.s32 s3, s9;
	s6 =	sadd.s32 @!p0 $0x88, s6;
	s7 =	simm.s32 @p2 $0x1082  }
0x22: {  	[simem:s7], [sflag:s8] =	dma.local @!p0 [hbm:s6], $0xF7A  }
0x23: {  	s9 =	sor.u32 $0xD0000000, s2;
	s6 =	simm.s32 $0x108;
	_ =	swait.ge @!p0 [sflag:s8], $0x0  }
0x24: {  	s3 =	sadd.s32 $0x88, s3;
	s6 =	simm.s32 @!p1 $0x1082;
	[sflag:s4] =	ssyncset.s32 $0xFFFFF086  }
0x25: {  	[simem:s6], [sflag:s4] =	dma.local [hbm:s3], $0xF7A  }
0x26: {  	[smem:$0x3F9D] =	sst s1;
	(tag) =	ssettag s2;
	_ =	strace s9  }
0x27: {  	s1 =	sld [smem:$0x3FAD]  }
0x28: {  	s2 =	sld [smem:$0x3FAE]  }
0x29: {  	s4 =	sld [smem:$0x3FB0]  }
0x2a: {  	p0 =	seq.s32 s5, $0x0;
	s5 =	sld [smem:$0x3FB1]  }
0x2b: {  	s6 =	sld [smem:$0x3FB2]  }
0x2c: {  	s7 =	sld [smem:$0x3FB3]  }
0x2d: {  	s3 =	simm.s32 $0x108;
	s8 =	sld [smem:$0x3FB4]  }
0x2e: {  	s3 =	simm.s32 @!p0 $0x1082;
	s9 =	sld [smem:$0x3FB5]  }
0x2f: {  	lr =	sadd.s32 s0, s3;
	s0 =	sld [smem:$0x3FAC]  }
0x30: {  	s3 =	sld [smem:$0x3FAF]  }
0x31: {  	[smem:$0x3FB8] =	sst s10  }
0x32: {  	s10 =	sld [smem:$0x3FB6];
	_ =	sdelay $0x3  }
0x33: {  	p0 =	seq.s32 s10, $0x1;
	s10 =	sld [smem:$0x3FB8];
	_ =	sdelay $0x3  }
0x34: {  	[smem:$0x3FB8] =	sst s10  }
0x35: {  	s10 =	sld [smem:$0x3FB7];
	_ =	sdelay $0x3  }
0x36: {  	p1 =	seq.s32 s10, $0x1;
	s10 =	sld [smem:$0x3FB8];
	_ =	sdelay $0x3  }
0x37: {  	[smem:$0x3FB8] =	sst s10  }
0x38: {  	s10 =	sld [smem:$0x3FB9]  }
0x39: {  	_ = 	snop;
	(pc) =	sbr.ind lr, $3  }
0x3a: {  	_ = 	snop  }
0x3b: {  	_ = 	snop  }
0x3c: {  	p2 =	seq.s32 s10, $0x1;
	s10 =	sld [smem:$0x3FB8]  }
0x3d: {  	_ =	shalt  }
0x3e: {  	_ =	shalt  }
0x3f: {  	_ =	shalt  }
0x40: {  	_ =	shalt  }
0x41: {  	_ =	shalt  }
0x42: {  	_ =	shalt  }
0x43: {  	_ =	shalt  }
0x44: {  	_ =	shalt  }
0x45: {  	_ =	shalt  }
0x46: {  	_ =	shalt  }
0x47: {  	_ =	shalt  }
0x48: {  	_ =	shalt  }
0x49: {  	_ =	shalt  }
0x4a: {  	_ =	shalt  }
0x4b: {  	_ =	shalt  }
0x4c: {  	_ =	shalt  }
0x4d: {  	_ =	shalt  }
0x4e: {  	_ =	shalt  }
0x4f: {  	_ =	shalt  }
0x50: {  	_ =	shalt  }
0x51: {  	_ =	shalt  }
0x52: {  	_ =	shalt  }
0x53: {  	_ =	shalt  }
0x54: {  	_ =	shalt  }
0x55: {  	_ =	shalt  }
0x56: {  	_ =	shalt  }
0x57: {  	_ =	shalt  }
0x58: {  	_ =	shalt  }
0x59: {  	_ =	shalt  }
0x5a: {  	_ =	shalt  }
0x5b: {  	_ =	shalt  }
0x5c: {  	_ =	shalt  }
0x5d: {  	_ =	shalt  }
0x5e: {  	_ =	shalt  }
0x5f: {  	_ =	shalt  }
0x60: {  	_ =	shalt  }
0x61: {  	_ =	shalt  }
0x62: {  	_ =	shalt  }
0x63: {  	_ =	shalt  }
0x64: {  	_ =	shalt  }
0x65: {  	_ =	shalt  }
0x66: {  	_ =	shalt  }
0x67: {  	_ =	shalt  }
0x68: {  	_ =	shalt  }
0x69: {  	_ =	shalt  }
0x6a: {  	_ =	shalt  }
0x6b: {  	_ =	shalt  }
0x6c: {  	_ =	shalt  }
0x6d: {  	_ =	shalt  }
0x6e: {  	_ =	shalt  }
0x6f: {  	_ =	shalt  }
0x70: {  	_ =	shalt  }
0x71: {  	_ =	shalt  }
0x72: {  	_ =	shalt  }
0x73: {  	_ =	shalt  }
0x74: {  	_ =	shalt  }
0x75: {  	_ =	shalt  }
0x76: {  	_ =	shalt  }
0x77: {  	_ =	shalt  }
0x78: {  	_ =	shalt  }
0x79: {  	_ =	shalt  }
0x7a: {  	_ =	shalt  }
0x7b: {  	_ =	shalt  }
0x7c: {  	_ =	shalt  }
0x7d: {  	_ =	shalt  }
0x7e: {  	_ =	shalt  }
0x7f: {  	_ =	shalt  }
0x80: {  	_ =	shalt  }
0x81: {  	_ =	shalt  }
0x82: {  	_ =	shalt  }
0x83: {  	_ =	shalt  }
0x84: {  	_ =	shalt  }
0x85: {  	_ =	shalt  }
0x86: {  	_ =	shalt  }
0x87: {  	_ =	shalt  }
.Lfunc_end0:
.L_simem_size_0:
called_computation_lowered:
.L_overlay_start_0:
0x88: {  	s2 =	sld [smem:$0x3FD9]  }
0x89: {  	s3 =	sld [smem:$0x3FFE];
	_ =	sdelay $0x1  }
0x8a: {  	s1 =	srdreg.scid  }
0x8b: {  	s0 =	sand.u32 $0x1, s1  }
0x8c: {  	s14 =	sshll.u32 s0, $0xA;
	s2 =	sadd.s32 s3, s2  }
0x8d: {  	s2 =	sadd.s32 s2, s14  }
0x8e: {  	[smem:$0x3FC4] =	sst s2  }
0x8f: {  	_ = 	snop  }
0x90: {  	s2 =	sld [smem:$0x3FD0];
	_ =	sdelay $0x2  }
0x91: {  	s15 =	simm.s32 $0xA;
	s4 =	simm.s32 $0x10  }
0x92: {  	[smem:s4], [sflag:s15] =	dma.local [hbm:s2], $0x1  }
0x93: {  	_ =	swait.eq [sflag:s15], $0x1  }
0x94: {  	[sflag:s15] =	ssyncset.done $0x0  }
0x95: {  	[sflag:s15] =	ssyncadd.s32 $0xFFFFFFFF  }
0x96: {  	s16 =	sld [smem:$0x10];
	(tm) =	ssettm $0x1  }
0x97: {  	s17 =	sld [smem:$0x3FFB];
	_ =	sdelay $0x3  }
0x98: {  	_ =	strace s17  }
0x99: {  	s3 =	sld [smem:$0x3FFC];
	_ =	sdelay $0x3  }
0x9a: {  	_ =	strace s3  }
0x9b: {  	s3 =	sld [smem:$0x3FFD];
	_ =	sdelay $0x3  }
0x9c: {  	_ =	strace s3  }
0x9d: {  	_ =	strace $0x8FFFFFFF  }
0x9e: {  	s18 =	sld [smem:$0x3FDB];
	_ =	sdelay $0x1  }
0x9f: {  	s19 =	simm.s32 $_scs_section_size  }
0xa0: {  	s5 =	simm.s32 $_size__tile_overlayer_lowered;
	s6 =	simm.s32 $_tile_overlayer_lowered  }
0xa1: {  	s22 =	simm.s32 $0x1BFF;
	s21 =	sshll.u32 s6, $0x1;
	s3 =	sadd.s32 s19, s18  }
0xa2: {  	s7 =	simm.s32 $0x0;
	s20 =	sshll.u32 s5, $0x1;
	s5 =	sadd.s32 s21, s3  }
0xa3: {  	[timem:s7], [sflag:s22] =	dma.local [hbm:s5], s20  }
0xa4: {  	_ =	swait.ge [sflag:s22], s20  }
0xa5: {  	s4 =	ssub.s32 $0x0, s20;
	[sflag:s22] =	ssyncset.done $0x0  }
0xa6: {  	[sflag:s22] =	ssyncadd.s32 s4;
	_ =	sdelay $0x1  }
0xa7: {  	s23 =	simm.s32 $0x1B8B  }
0xa8: {  	_ =	swait.ge [sflag:s23], $0x1  }
0xa9: {  	[sflag:s23] =	ssyncset.done $0x0  }
0xaa: {  	s25 =	simm.s32 $0x1B8E;
	s24 =	sld [smem:$0x3FFE];
	[sflag:s23] =	ssyncadd.s32 $0xFFFFFFFF  }
0xab: {  	s26 =	simm.s32 $execute0_lowered;
	[smem:$0x3FD2] =	sst s25  }
0xac: {  	s5 =	sshll.u32 s26, $0x1;
	_ =	strace $0x80000046;
	[dreg:$0x1] =	wrdreg $0xFFFFFFFF  }
0xad: {  	s28 =	simm.s32 $_size_execute0_lowered;
	s3 =	sadd.s32 s3, s5;
	[dreg:$0x0] =	wrdreg $0x0  }
0xae: {  	s5 =	sshll.u32 s28, $0x1;
	[dreg:$0x2] =	wrdreg s3  }
0xaf: {  	[dreg:$0x3] =	wrdreg s5  }
0xb0: {  	[dreg:$0x4] =	wrdreg $0xC0  }
0xb1: {  	_ =	task [dreg:s7], $0x5FFFF  }
0xb2: {  	[dreg:$0x1] =	wrdreg $0xFFFFFFFF  }
0xb3: {  	[dreg:$0x0] =	wrdreg $0x60  }
0xb4: {  	[dreg:$0x2] =	wrdreg s24  }
0xb5: {  	[dreg:$0x3] =	wrdreg s16  }
0xb6: {  	[dreg:$0x4] =	wrdreg $0xC1000  }
0xb7: {  	[dreg:$0x5] =	wrdreg $0x9  }
0xb8: {  	_ =	task.clear_ibuf [dreg:s7], $0x6FFFF;
	_ =	strace $0x90000046  }
0xb9: {  	s29 =	simm.s32 $0x9;
	_ =	strace $0x80000048  }
0xba: {  	_ =	swait.ge [sflag:s29], $0x1  }
0xbb: {  	[sflag:s29] =	ssyncadd.s32 $0xFFFFFFFF  }
0xbc: {  	_ =	strace $0x90000048  }
0xbd: {  	_ =	sfence  }
0xbe: {  	s30 =	sld [smem:$0x0];
	_ =	sdelay $0x2  }
0xbf: {  	s31 =	sshll.u32 s1, $0xD;
	s1 =	sshrl.u32 s1, $0x2  }
0xc0: {  	s3 =	sand.u32 $0x4000, s31;
	s1 =	sadd.s32 s1, s30  }
0xc1: {  	s0 =	sor.u32 s3, s0;
	s1 =	sshll.u32 s1, $0x11  }
0xc2: {  	s0 =	sor.u32 s1, s0  }
0xc3: {  	s0 =	sadd.s32 $0x8F2B, s0  }
0xc4: {  	[sflag:s0] =	ssyncadd.remote.s32 $0x1  }
0xc5: {  	_ =	sfence.sel $0xFFFF  }
0xc6: {  	[dreg:$0x0] =	wrdreg $0xFFFFFFFF;
	(pc) =	sbr.abs _section_cstart, $3  }
0xc7: {  	[dreg:$0x1] =	wrdreg $0xFFFFFFFF  }
0xc8: {  	_ =	task.clear_ibuf [dreg:s7], $0x2FFFF;
	_ =	strace $0x9FFFFFFF  }
0xc9: {  	(tm) =	ssettm $0x7FFFFFFF  }
tec
execute0_lowered:
.L_overlay_start_1:
0x0: {  	(tag) =	ssettag $0x1  }
0x1: {  	s19 =	rddreg [dreg:$0x0];
	s1 =	srdreg.scid  }
0x2: {  	s2 =	rddreg [dreg:$0x1];
	s0 =	stileid.u32;
	s20 =	sand.u32 $0x1, s1  }
0x3: {  	s3 =	rddreg [dreg:$0x2];
	s5 =	sshll.u32 s0, $0x9;
	s6 =	sshll.u32 s20, $0x8  }
0x4: {  	s4 =	simm.s32 $0x0;
	s1 =	rddreg [dreg:$0x3];
	s17 =	sor.u32 s6, s5  }
0x5: {  	[smem:$0x7FF] =	sst s4;
	s10 =	sadd.s32 $0x21600, s19;
	s5 =	sshrl.u32 s17, $0x3  }
0x6: {  	_ =	strace $0x80000047;
	s6 =	sadd.s32 s10, s5;
	s5 =	simm.s32 $0x2  }
0x7: {  	[tilespmem:s4], [sflag:$0x2] =	stream.linear.gather [hbm4b:s6+s4], $0x80, $0x38;
	[tilespmem:$0x1C100] =	vst v63  }
0x8: {  	s8 =	simm.s32 $0x80;
	_ =	swait.ge [sflag:s5], $0x80  }
0x9: {  	s9 =	simm.s32 $0x100;
	s18 =	sor.u32 $0x80, s17;
	[sflag:s5] =	ssyncset.done $0x0  }
0xa: {  	s7 =	sadd.s32 $0x1600, s19;
	s11 =	sshrl.u32 s18, $0x3;
	[sflag:s5] =	ssyncadd.s32 $0xFFFFFF80  }
0xb: {  	[tilespmem:s9], [sflag:$0x1] =	stream.indirect.gather [hbm4b:s7+s8], $0x80, s4, s8, $0xb8;
	[tilespmem:$0x1C100] =	vst v63  }
0xc: {  	s10 =	sadd.s32 s10, s11  }
0xd: {  	[tilespmem:s8], [sflag:$0x2] =	stream.linear.gather [hbm4b:s10+s4], $0x80, $0x38;
	[tilespmem:$0x1C100] =	vst v63  }
0xe: {  	_ =	swait.ge [sflag:s5], $0x80  }
0xf: {  	[sflag:s5] =	ssyncset.done $0x0  }
0x10: {  	s11 =	simm.s32 $0x4100;
	[sflag:s5] =	ssyncadd.s32 $0xFFFFFF80  }
0x11: {  	[tilespmem:s11], [sflag:$0x1] =	stream.indirect.gather [hbm4b:s7+s8], $0x80, s8, s8, $0xb8;
	[tilespmem:$0x1C100] =	vst v63  }
0x12: {  	s13 =	simm.s32 $0x8100;
	s12 =	sadd.s32 $0x21A00, s19  }
0x13: {  	[tilespmem:s13], [sflag:$0x2] =	stream.linear.gather [hbm4b:s12+s4], $0x4000, $0x38;
	[tilespmem:$0x1C100] =	vst v63  }
0x14: {  	s14 =	sshll.u32 s0, $0x10;
	_ =	swait.ge [sflag:s5], $0x4000  }
0x15: {  	s28 =	sshll.u32 s0, $0x6;
	s15 =	sadd.s32 s14, s3;
	[sflag:s5] =	ssyncset.done $0x0  }
0x16: {  	s14 =	sor.u32 $0x1C02, s28;
	s15 =	sshrl.u32 s15, $0x3;
	[sflag:s5] =	ssyncadd.s32 $0xFFFFC000  }
0x17: {  	[spmem:s15], [sflag:s14] =	dma.local [hbm:s2], $0x2000  }
0x18: {  	_ =	swait.ge [sflag:s5], $0x2000  }
0x19: {  	[sflag:s5] =	ssyncset.done $0x0  }
0x1a: {  	[sflag:s5] =	ssyncadd.s32 $0xFFFFE000  }
0x1b: {  	[bflag:$0x0] =	sbarrier.arrive $0xFFFF  }
0x1c: {  	[spmem:s3] =	stream.indirect.scatter.add.f32 [tilespmem:s13], [sflag:$0x2], $0x80, s4, s8, $0xb8;
	[tilespmem:$0x1C100] =	vst v63  }
0x1d: {  	_ =	swait.ge [sflag:s5], $0x4000  }
0x1e: {  	[sflag:s5] =	ssyncset.done $0x0  }
0x1f: {  	[sflag:s5] =	ssyncadd.s32 $0xFFFFC000  }
0x20: {  	[spmem:s3] =	stream.indirect.scatter.add.f32 [tilespmem:s13], [sflag:$0x2], $0x80, s8, s8, $0xb8;
	[tilespmem:$0x1C100] =	vst v63  }
0x21: {  	_ =	swait.ge [sflag:s5], $0x4000  }
0x22: {  	[sflag:s5] =	ssyncset.done $0x0  }
0x23: {  	s16 =	simm.s32 $0x1;
	[sflag:s5] =	ssyncadd.s32 $0xFFFFC000  }
0x24: {  	_ =	swait.ge [sflag:s16], $0x4000  }
0x25: {  	s21 =	sadd.s32 $0x22200, s19;
	s17 =	sshll.u32 s17, $0x4;
	[sflag:s16] =	ssyncset.done $0x0  }
0x26: {  	s17 =	sadd.s32 s21, s17;
	[sflag:s16] =	ssyncadd.s32 $0xFFFFC000  }
0x27: {  	[hbm4b:s17+s4] =	stream.linear.scatter [tilespmem:s9], [sflag:$0x2], $0x4000, $0x38;
	[tilespmem:$0x1C100] =	vst v63  }
0x28: {  	_ =	swait.ge [sflag:s5], $0x4000  }
0x29: {  	[sflag:s5] =	ssyncset.done $0x0  }
0x2a: {  	[sflag:s5] =	ssyncadd.s32 $0xFFFFC000  }
0x2b: {  	s22 =	sshll.u32 s0, $0xD;
	s29 =	ssub.s32 $0x2, s20;
	_ =	swait.ge [sflag:s16], $0x4000  }
0x2c: {  	s30 =	sshrl.u32 s29, $0x1;
	s18 =	sshll.u32 s18, $0x4;
	[sflag:s16] =	ssyncset.done $0x0  }
0x2d: {  	s18 =	sadd.s32 s21, s18;
	s21 =	ssub.s32 s29, s30;
	[sflag:s16] =	ssyncadd.s32 $0xFFFFC000  }
0x2e: {  	[hbm4b:s18+s4] =	stream.linear.scatter [tilespmem:s11], [sflag:$0x2], $0x4000, $0x38;
	[tilespmem:$0x1C100] =	vst v63  }
0x2f: {  	s19 =	sadd.s32 s22, s19;
	s31 =	smax.u32 s21, $0x1;
	_ =	swait.ge [sflag:s5], $0x4000  }
0x30: {  	s20 =	sshll.u32 s20, $0x11;
	p0 =	sne.s32 s31, $0x1;
	[sflag:s5] =	ssyncset.done $0x0  }
.Ltmp0:
0x31: {  	s19 =	sadd.s32 s20, s19;
	[sflag:s5] =	ssyncadd.s32 $0xFFFFC000;
	(pc) =	sbr.rel @!p0 .LBB2_2-.Ltmp0, $4  }
0x32: {  	s19 =	sadd.s32 $0x42200, s19;
	[bflag:$0x0] =	sbarrier.arrive $0xFFFF  }
0x33: {  	[hbm:s19], [sflag:s14] =	dma.local [spmem:s15], $0x2000  }
0x34: {  	_ =	swait.ge [sflag:s5], $0x2000  }
0x35: {  	s20 =	sadd.s32 $0xFFFFFFFF, s31;
	[sflag:s5] =	ssyncset.done $0x0  }
.LBB2_1:
0x36: {  	p0 =	sne.s32 s20, $0x1;
	s20 =	sadd.s32 $0xFFFFFFFF, s20;
	[sflag:s5] =	ssyncadd.s32 $0xFFFFE000  }
0x37: {  	[tilespmem:s4], [sflag:$0x2] =	stream.linear.gather [hbm4b:s6+s4], $0x80, $0x38;
	[tilespmem:$0x1C100] =	vst v63  }
0x38: {  	_ =	swait.ge [sflag:s5], $0x80  }
0x39: {  	[sflag:s5] =	ssyncset.done $0x0  }
0x3a: {  	[sflag:s5] =	ssyncadd.s32 $0xFFFFFF80  }
0x3b: {  	[tilespmem:s9], [sflag:$0x1] =	stream.indirect.gather [hbm4b:s7+s8], $0x80, s4, s8, $0xb8;
	[tilespmem:$0x1C100] =	vst v63  }
0x3c: {  	_ = 	snop  }
0x3d: {  	[tilespmem:s8], [sflag:$0x2] =	stream.linear.gather [hbm4b:s10+s4], $0x80, $0x38;
	[tilespmem:$0x1C100] =	vst v63  }
0x3e: {  	_ =	swait.ge [sflag:s5], $0x80  }
0x3f: {  	[sflag:s5] =	ssyncset.done $0x0  }
0x40: {  	[sflag:s5] =	ssyncadd.s32 $0xFFFFFF80  }
0x41: {  	[tilespmem:s11], [sflag:$0x1] =	stream.indirect.gather [hbm4b:s7+s8], $0x80, s8, s8, $0xb8;
	[tilespmem:$0x1C100] =	vst v63  }
0x42: {  	_ = 	snop  }
0x43: {  	[tilespmem:s13], [sflag:$0x2] =	stream.linear.gather [hbm4b:s12+s4], $0x4000, $0x38;
	[tilespmem:$0x1C100] =	vst v63  }
0x44: {  	_ =	swait.ge [sflag:s5], $0x4000  }
0x45: {  	[sflag:s5] =	ssyncset.done $0x0  }
0x46: {  	[sflag:s5] =	ssyncadd.s32 $0xFFFFC000  }
0x47: {  	[spmem:s15], [sflag:s14] =	dma.local [hbm:s2], $0x2000  }
0x48: {  	_ =	swait.ge [sflag:s5], $0x2000  }
0x49: {  	[sflag:s5] =	ssyncset.done $0x0  }
0x4a: {  	[sflag:s5] =	ssyncadd.s32 $0xFFFFE000  }
0x4b: {  	[bflag:$0x0] =	sbarrier.arrive $0xFFFF  }
0x4c: {  	[spmem:s3] =	stream.indirect.scatter.add.f32 [tilespmem:s13], [sflag:$0x2], $0x80, s4, s8, $0xb8;
	[tilespmem:$0x1C100] =	vst v63  }
0x4d: {  	_ =	swait.ge [sflag:s5], $0x4000  }
0x4e: {  	[sflag:s5] =	ssyncset.done $0x0  }
0x4f: {  	[sflag:s5] =	ssyncadd.s32 $0xFFFFC000  }
0x50: {  	[spmem:s3] =	stream.indirect.scatter.add.f32 [tilespmem:s13], [sflag:$0x2], $0x80, s8, s8, $0xb8;
	[tilespmem:$0x1C100] =	vst v63  }
0x51: {  	_ =	swait.ge [sflag:s5], $0x4000  }
0x52: {  	[sflag:s5] =	ssyncset.done $0x0  }
0x53: {  	[sflag:s5] =	ssyncadd.s32 $0xFFFFC000  }
0x54: {  	_ =	swait.ge [sflag:s16], $0x4000  }
0x55: {  	[sflag:s16] =	ssyncset.done $0x0  }
0x56: {  	[sflag:s16] =	ssyncadd.s32 $0xFFFFC000  }
0x57: {  	[hbm4b:s17+s4] =	stream.linear.scatter [tilespmem:s9], [sflag:$0x2], $0x4000, $0x38;
	[tilespmem:$0x1C100] =	vst v63  }
0x58: {  	_ =	swait.ge [sflag:s5], $0x4000  }
0x59: {  	[sflag:s5] =	ssyncset.done $0x0  }
0x5a: {  	[sflag:s5] =	ssyncadd.s32 $0xFFFFC000  }
0x5b: {  	_ =	swait.ge [sflag:s16], $0x4000  }
0x5c: {  	[sflag:s16] =	ssyncset.done $0x0  }
0x5d: {  	[sflag:s16] =	ssyncadd.s32 $0xFFFFC000  }
0x5e: {  	[hbm4b:s18+s4] =	stream.linear.scatter [tilespmem:s11], [sflag:$0x2], $0x4000, $0x38;
	[tilespmem:$0x1C100] =	vst v63  }
0x5f: {  	_ =	swait.ge [sflag:s5], $0x4000  }
0x60: {  	[sflag:s5] =	ssyncset.done $0x0  }
.Ltmp1:
0x61: {  	[sflag:s5] =	ssyncadd.s32 $0xFFFFC000;
	(pc) =	sbr.rel @p0 .LBB2_1-.Ltmp1, $4  }
0x62: {  	[bflag:$0x0] =	sbarrier.arrive $0xFFFF  }
0x63: {  	[hbm:s19], [sflag:s14] =	dma.local [spmem:s15], $0x2000  }
0x64: {  	_ =	swait.ge [sflag:s5], $0x2000  }
0x65: {  	[sflag:s5] =	ssyncset.done $0x0  }
.LBB2_2:
0x66: {  	[sflag:s5] =	ssyncadd.s32 $0xFFFFE000  }
0x67: {  	_ =	sfence.sel $0x180000  }
0x68: {  	[bflag:$0x0] =	sbarrier.arrive $0xFFFF  }
0x69: {  	p0 =	sne.s32 s0, $0x0;
	_ =	strace $0x90000047  }
0x6a: {  	s0 =	sadd.s32 @!p0 $0x100000, s1;
	[bflag:$0x2] =	sbarrier.arrive $0xFFFF  }
0x6b: {  	[sflag:s0] =	ssyncadd.tile.s32 @!p0 $0x1;
	_ =	shalt  }
.Lfunc_end2:
_tile_overlayer_lowered:
.L_overlay_start_2:
0x6c: {  	(tag) =	ssettag $0x2  }
0x6d: {  	s0 =	rddreg [dreg:$0x0];
	s2 =	stileid.u32  }
0x6e: {  	s1 =	rddreg [dreg:$0x1];
	p0 =	sne.s32 s2, $0x0  }
0x6f: {  	s3 =	rddreg [dreg:$0x2];
	[bflag:$0x3] =	sbarrier.arrive $0xFFFF;
	s2 =	simm.s32 @!p0 $0x1C02  }
0x70: {  	[timem:s3], [sflag:s2] =	dma.local @!p0 [hbm:s0], s1  }
0x71: {  	s0 =	simm.s32 @!p0 $0x2  }
0x72: {  	_ =	swait.ge @!p0 [sflag:s0], s1  }
0x73: {  	s1 =	ssub.s32 @!p0 $0x0, s1;
	[sflag:s0] =	ssyncset.done @!p0 $0x0  }
0x74: {  	[sflag:s0] =	ssyncadd.s32 @!p0 s1  }
0x75: {  	[bflag:$0x3] =	sbarrier.arrive $0xFFFF  }
0x76: {  	_ =	shalt  }

</sc_bundles>
